<compile_context>
chip_gen: v7x
topology: tpu7x:2x2x1
jax: 0.10.2.dev20260603
libtpu: 0.0.44.dev20260713+nightly
codegen_flags: <defaults>
</compile_context>

<pallas_src>
import functools

import jax
from jax import lax
import jax.numpy as jnp
from jax.experimental import pallas as pl
from jax.experimental.pallas import tpu as pltpu
from jax.experimental.pallas import tpu_sc as plsc

TEMP = 0.05

B = 1024
D = 256
K = 8192
KBLK = 1024
NSTEPS = K // KBLK
LANES = 128
GRPS = KBLK // LANES

SC_NC = 2
SC_NS = 16
SC_NW = SC_NC * SC_NS
B_PER_W = B // SC_NW


def _gather_body(table_hbm, idx_hbm, out_hbm, idx_v, rows_v, sem):
    wid = lax.axis_index("s") * SC_NC + lax.axis_index("c")
    base = wid * B_PER_W
    pltpu.sync_copy(idx_hbm.at[pl.ds(base, B_PER_W)], idx_v)
    pltpu.async_copy(table_hbm.at[idx_v], rows_v, sem).wait()
    pltpu.sync_copy(rows_v, out_hbm.at[pl.ds(base, B_PER_W)])


@functools.cache
def _gather_targets():
    return pl.kernel(
        _gather_body,
        out_type=jax.ShapeDtypeStruct((B, D), jnp.float32),
        mesh=plsc.VectorSubcoreMesh(core_axis_name="c", subcore_axis_name="s"),
        scratch_types=[
            pltpu.VMEM((B_PER_W,), jnp.int32),
            pltpu.VMEM((B_PER_W, D), jnp.float32),
            pltpu.SemaphoreType.DMA,
        ],
    )


def _lane_sum(a):
    n = a.shape[1] // LANES
    parts = [a[:, g * LANES:(g + 1) * LANES] for g in range(n)]
    while len(parts) > 1:
        parts = [parts[i] + parts[i + 1] for i in range(0, len(parts), 2)]
    return parts[0]


def _sumexp_body(x_ref, f_ref, acc_out_ref, xs_ref):
    k = pl.program_id(0)

    @pl.when(k == 0)
    def _init():
        x = x_ref[...]
        norm = jnp.sqrt(jnp.sum(x * x, axis=1, keepdims=True))
        xs_ref[...] = (x * (1.0 / (jnp.maximum(norm, 1e-12) * TEMP))
                       ).astype(jnp.bfloat16)
        acc_out_ref[...] = jnp.zeros_like(acc_out_ref)

    s = jax.lax.dot_general(
        xs_ref[...], f_ref[...].astype(jnp.bfloat16),
        dimension_numbers=(((1,), (1,)), ((), ())),
        preferred_element_type=jnp.float32,
    )
    acc_out_ref[...] += _lane_sum(jnp.exp(s))


def _combine_body(x_ref, g_ref, acc_ref, out_ref):
    x = x_ref[...]
    norm = jnp.sqrt(jnp.sum(x * x, axis=1, keepdims=True))
    inv = 1.0 / (jnp.maximum(norm, 1e-12) * TEMP)
    tgt = jnp.sum(_lane_sum(x * g_ref[...]), axis=1, keepdims=True) * inv
    lse = jnp.log(jnp.sum(acc_ref[...], axis=1, keepdims=True))
    out_ref[...] = jnp.mean(lse - tgt, keepdims=True).reshape(1, 1)


def _sumexp(inputs, features):
    return pl.pallas_call(
        _sumexp_body,
        grid=(NSTEPS,),
        in_specs=[
            pl.BlockSpec((B, D), lambda k: (0, 0)),
            pl.BlockSpec((KBLK, D), lambda k: (k, 0)),
        ],
        out_specs=pl.BlockSpec((B, LANES), lambda k: (0, 0)),
        out_shape=jax.ShapeDtypeStruct((B, LANES), jnp.float32),
        scratch_shapes=[pltpu.VMEM((B, D), jnp.bfloat16)],
    )(inputs, features)


def _combine(inputs, gathered, acc):
    out = pl.pallas_call(
        _combine_body,
        out_shape=jax.ShapeDtypeStruct((1, 1), jnp.float32),
    )(inputs, gathered, acc)
    return out[0, 0]


@jax.jit
def _run(inputs, targets, features):
    g = _gather_targets()(features, targets.astype(jnp.int32))
    acc = _sumexp(inputs, features)
    return _combine(inputs, g, acc)


def kernel(inputs, targets, features):
    return _run(inputs, targets, features)

# --- scband reference (transcript-rebuilt; emitter-appended) ---
"""Pipeline reference for scband-cluster-memory-59004260712776 (READ-ONLY COPY).

The authoritative reference and input builder live on the scoring server;
editing this copy changes nothing except your own understanding.
"""

import jax, jax.numpy as jnp
import numpy as np

TEMP = 0.05
NUM_SAMPLES = 8192
NUM_FEATURES = 256
BATCH = 1024

def setup_inputs(seed: int = 0) -> dict:
    key = jax.random.key(seed)
    k1, k2, k3 = jax.random.split(key, 3)
    inputs = jax.random.normal(k1, (BATCH, NUM_FEATURES), dtype=jnp.float32)
    targets = jax.random.randint(k2, (BATCH,), 0, NUM_SAMPLES, dtype=jnp.int64)
    # memory bank ('features' buffer in ClusterMemory); initialized and L2-normalized
    feats = jax.random.normal(k3, (NUM_SAMPLES, NUM_FEATURES), dtype=jnp.float32)
    feats = feats / jnp.linalg.norm(feats, axis=1, keepdims=True)
    return {"inputs": inputs, "targets": targets, "features": feats}

def reference(inputs, targets, features):
    # F.normalize(inputs, dim=1)
    norm = jnp.maximum(jnp.linalg.norm(inputs, axis=1, keepdims=True), 1e-12)
    x = inputs / norm
    # CM.forward: inputs.mm(features.t())
    outputs = x @ features.T
    # outputs /= self.temp
    outputs = outputs / TEMP
    # F.cross_entropy(outputs, targets)
    logp = jax.nn.log_softmax(outputs, axis=1)
    nll = -jnp.take_along_axis(logp, targets[:, None].astype(jnp.int32), axis=1)[:, 0]
    loss = jnp.mean(nll)
    return loss

if __name__ == "__main__":
    import jax
    _d = setup_inputs()
    print(jax.jit(kernel)(*tuple(_d.values())))

</pallas_src>

<mosaic_0001>
#map = affine_map<(d0, d1) -> (0, 0)>
#map1 = affine_map<(d0, d1) -> (0)>
module attributes {stable_mosaic.version = 14 : i64} {
  func.func @_gather_body(%arg0: i32, %arg1: i32, %arg2: memref<8192x256xf32, #tpu.memory_space<hbm>>, %arg3: memref<1024xi32, #tpu.memory_space<hbm>>, %arg4: memref<1024x256xf32, #tpu.memory_space<hbm>>, %arg5: memref<32xi32, #tpu.memory_space<vmem>>, %arg6: memref<32x256xf32, #tpu.memory_space<vmem>>, %arg7: memref<!tpu.dma_semaphore, #tpu.memory_space<semaphore_mem>>) attributes {dimension_semantics = [#tpu.dimension_semantics<core_parallel>, #tpu.dimension_semantics<subcore_parallel>], iteration_bounds = array<i64: 2, 16>, scalar_prefetch = 0 : i64, scratch_operands = 3 : i64, tpu.core_type = #tpu.core_type<sc_vector_subcore>, window_params = [{transform_indices = #map}, {transform_indices = #map1}, {transform_indices = #map}]} {
    %mul3A = arith.constant 2 : i32
    %mul3A_0 = arith.muli %arg1, %mul3A : i32
    %add3A = arith.addi %mul3A_0, %arg0 : i32
    %mul3A_1 = arith.constant 32 : i32
    %mul3A_2 = arith.muli %add3A, %mul3A_1 : i32
    "tpu.region"() ({
      %run_scoped3A = tpu.sem_alloc : memref<!tpu.dma_semaphore, #tpu.memory_space<semaphore_mem>>
      %dma_start3A_7 = tpu.memref_slice %arg3[%mul3A_2] : memref<1024xi32, #tpu.memory_space<hbm>> -> memref<32xi32, #tpu.memory_space<hbm>>
      %dma_start3A_8 = tpu.memref_slice %arg3[%mul3A_2] : memref<1024xi32, #tpu.memory_space<hbm>> -> memref<32xi32, #tpu.memory_space<hbm>>
      tpu.enqueue_dma source(%dma_start3A_8 : memref<32xi32, #tpu.memory_space<hbm>>) target(%arg5 : memref<32xi32, #tpu.memory_space<vmem>>) target_semaphore(%run_scoped3A : memref<!tpu.dma_semaphore, #tpu.memory_space<semaphore_mem>>)
      %dma_wait3A_9 = tpu.memref_slice %arg3[%mul3A_2] : memref<1024xi32, #tpu.memory_space<hbm>> -> memref<32xi32, #tpu.memory_space<hbm>>
      %dma_wait3A_10 = tpu.memref_slice %arg3[%mul3A_2] : memref<1024xi32, #tpu.memory_space<hbm>> -> memref<32xi32, #tpu.memory_space<hbm>>
      tpu.wait_dma2 semaphore(%run_scoped3A : memref<!tpu.dma_semaphore, #tpu.memory_space<semaphore_mem>>) src(%dma_wait3A_10 : memref<32xi32, #tpu.memory_space<hbm>>) dst(%arg5 : memref<32xi32, #tpu.memory_space<vmem>>)
      tpu.yield
    }) : () -> ()
    %dma_start3A = arith.constant 0 : i32
    %dma_start3A_3 = arith.constant 0 : i32
    %dma_start3A_4 = tpu.memref_slice %arg2[%dma_start3A, %dma_start3A_3] : memref<8192x256xf32, #tpu.memory_space<hbm>> -> memref<8192x256xf32, #tpu.memory_space<hbm>>
    tpu.enqueue_indirect_dma source(%dma_start3A_4 : memref<8192x256xf32, #tpu.memory_space<hbm>>) target(%arg6 : memref<32x256xf32, #tpu.memory_space<vmem>>) offsets(%arg5 : memref<32xi32, #tpu.memory_space<vmem>>) semaphore(%arg7 : memref<!tpu.dma_semaphore, #tpu.memory_space<semaphore_mem>>)
    %dma_wait3A = arith.constant 0 : i32
    %dma_wait3A_5 = arith.constant 0 : i32
    %dma_wait3A_6 = tpu.memref_slice %arg2[%dma_wait3A, %dma_wait3A_5] : memref<8192x256xf32, #tpu.memory_space<hbm>> -> memref<8192x256xf32, #tpu.memory_space<hbm>>
    tpu.wait_indirect_dma semaphore(%arg7 : memref<!tpu.dma_semaphore, #tpu.memory_space<semaphore_mem>>) src(%dma_wait3A_6 : memref<8192x256xf32, #tpu.memory_space<hbm>>) dst(%arg6 : memref<32x256xf32, #tpu.memory_space<vmem>>)
    "tpu.region"() ({
      %run_scoped3A = tpu.sem_alloc : memref<!tpu.dma_semaphore, #tpu.memory_space<semaphore_mem>>
      %dma_start3A_7 = arith.constant 0 : i32
      %dma_start3A_8 = tpu.memref_slice %arg4[%mul3A_2, %dma_start3A_7] : memref<1024x256xf32, #tpu.memory_space<hbm>> -> memref<32x256xf32, #tpu.memory_space<hbm>>
      %dma_start3A_9 = arith.constant 0 : i32
      %dma_start3A_10 = tpu.memref_slice %arg4[%mul3A_2, %dma_start3A_9] : memref<1024x256xf32, #tpu.memory_space<hbm>> -> memref<32x256xf32, #tpu.memory_space<hbm>>
      tpu.enqueue_dma source(%arg6 : memref<32x256xf32, #tpu.memory_space<vmem>>) target(%dma_start3A_10 : memref<32x256xf32, #tpu.memory_space<hbm>>) target_semaphore(%run_scoped3A : memref<!tpu.dma_semaphore, #tpu.memory_space<semaphore_mem>>)
      %dma_wait3A_11 = arith.constant 0 : i32
      %dma_wait3A_12 = tpu.memref_slice %arg4[%mul3A_2, %dma_wait3A_11] : memref<1024x256xf32, #tpu.memory_space<hbm>> -> memref<32x256xf32, #tpu.memory_space<hbm>>
      %dma_wait3A_13 = arith.constant 0 : i32
      %dma_wait3A_14 = tpu.memref_slice %arg4[%mul3A_2, %dma_wait3A_13] : memref<1024x256xf32, #tpu.memory_space<hbm>> -> memref<32x256xf32, #tpu.memory_space<hbm>>
      tpu.wait_dma2 semaphore(%run_scoped3A : memref<!tpu.dma_semaphore, #tpu.memory_space<semaphore_mem>>) src(%arg6 : memref<32x256xf32, #tpu.memory_space<vmem>>) dst(%dma_wait3A_14 : memref<32x256xf32, #tpu.memory_space<hbm>>)
      tpu.yield
    }) : () -> ()
    return
  }
}

module attributes {stable_mosaic.version = 14 : i64} {
  func.func @_sumexp_body(%arg0: i32, %arg1: memref<1024x256xf32, #tpu.memory_space<vmem>>, %arg2: memref<1024x256xf32, #tpu.memory_space<vmem>>, %arg3: memref<1024x128xf32, #tpu.memory_space<vmem>>, %arg4: memref<1024x256xbf16, #tpu.memory_space<vmem>>) attributes {dimension_semantics = [#tpu.dimension_semantics<arbitrary>], iteration_bounds = array<i64: 8>, scalar_prefetch = 0 : i64, scratch_operands = 1 : i64, tpu.core_type = #tpu.core_type<tc>, window_params = [{pipeline_mode = #tpu.pipeline_mode<synchronous>, transform_indices = @transform_0, window_bounds = array<i64: 1024, 256>}, {transform_indices = @transform_1, window_bounds = array<i64: 1024, 256>}, {pipeline_mode = #tpu.pipeline_mode<synchronous>, transform_indices = @transform_2, window_bounds = array<i64: 1024, 128>}]} {
    %eq3A = arith.constant 0 : i32
    %eq3A_0 = arith.cmpi eq, %arg0, %eq3A : i32
    %convert_element_type3A = arith.extui %eq3A_0 : i1 to i32
    %cond3A = arith.constant 0 : i32
    %cond3A_1 = arith.cmpi ne, %convert_element_type3A, %cond3A : i32
    scf.if %cond3A_1 {
      %get3A_28 = arith.constant 0 : index
      %get3A_29 = arith.constant 0 : index
      %get3A_30 = vector.load %arg1[%get3A_28, %get3A_29] : memref<1024x256xf32, #tpu.memory_space<vmem>>, vector<1024x256xf32>
      %mul3A = arith.mulf %get3A_30, %get3A_30 : vector<1024x256xf32>
      %reduce_sum3A = arith.constant dense<0.000000e+00> : vector<1024xf32>
      %reduce_sum3A_31 = vector.multi_reduction <add>, %mul3A, %reduce_sum3A [1] : vector<1024x256xf32> to vector<1024xf32>
      %broadcast_in_dim3A = vector.shape_cast %reduce_sum3A_31 : vector<1024xf32> to vector<1024x1xf32>
      %sqrt3A = math.sqrt %broadcast_in_dim3A : vector<1024x1xf32>
      %max3A = arith.constant 9.99999996E-13 : f32
      %max3A_32 = vector.broadcast %max3A : f32 to vector<1024x1xf32>
      %max3A_33 = arith.maximumf %sqrt3A, %max3A_32 : vector<1024x1xf32>
      %mul3A_34 = arith.constant 5.000000e-02 : f32
      %mul3A_35 = vector.broadcast %mul3A_34 : f32 to vector<1024x1xf32>
      %mul3A_36 = arith.mulf %max3A_33, %mul3A_35 : vector<1024x1xf32>
      %div3A = arith.constant 1.000000e+00 : f32
      %div3A_37 = vector.broadcast %div3A : f32 to vector<1024x1xf32>
      %div3A_38 = arith.divf %div3A_37, %mul3A_36 : vector<1024x1xf32>
      %mul3A_39 = vector.broadcast %div3A_38 : vector<1024x1xf32> to vector<1024x256xf32>
      %mul3A_40 = arith.mulf %get3A_30, %mul3A_39 : vector<1024x256xf32>
      %convert_element_type3A_41 = arith.truncf %mul3A_40 : vector<1024x256xf32> to vector<1024x256xbf16>
      %swap3A_42 = arith.constant 0 : index
      %swap3A_43 = arith.constant 0 : index
      %swap3A_44 = vector.load %arg4[%swap3A_42, %swap3A_43] : memref<1024x256xbf16, #tpu.memory_space<vmem>>, vector<1024x256xbf16>
      tpu.vector_store %arg4[%swap3A_42, %swap3A_43], %convert_element_type3A_41 {strides = array<i32>} : memref<1024x256xbf16, #tpu.memory_space<vmem>>, vector<1024x256xbf16>,
      %broadcast_in_dim3A_45 = arith.constant 0.000000e+00 : f32
      %broadcast_in_dim3A_46 = vector.broadcast %broadcast_in_dim3A_45 : f32 to vector<1024x128xf32>
      %swap3A_47 = arith.constant 0 : index
      %swap3A_48 = arith.constant 0 : index
      %swap3A_49 = vector.load %arg3[%swap3A_47, %swap3A_48] : memref<1024x128xf32, #tpu.memory_space<vmem>>, vector<1024x128xf32>
      tpu.vector_store %arg3[%swap3A_47, %swap3A_48], %broadcast_in_dim3A_46 {strides = array<i32>} : memref<1024x128xf32, #tpu.memory_space<vmem>>, vector<1024x128xf32>,
    } else {
    }
    %get3A = arith.constant 0 : index
    %get3A_2 = arith.constant 0 : index
    %get3A_3 = vector.load %arg4[%get3A, %get3A_2] : memref<1024x256xbf16, #tpu.memory_space<vmem>>, vector<1024x256xbf16>
    %get3A_4 = arith.constant 0 : index
    %get3A_5 = arith.constant 0 : index
    %get3A_6 = vector.load %arg2[%get3A_4, %get3A_5] : memref<1024x256xf32, #tpu.memory_space<vmem>>, vector<1024x256xf32>
    %convert_element_type3A_7 = arith.truncf %get3A_6 : vector<1024x256xf32> to vector<1024x256xbf16>
    %dot_general3A = arith.constant dense<0.000000e+00> : vector<1024x1024xf32>
    %dot_general3A_8 = tpu.matmul %get3A_3, %convert_element_type3A_7, %dot_general3A {dimension_numbers = #tpu.dot_dimension_numbers<[1], [1], [0], [0], [0, 0, 1, 0], [], []>, transpose_lhs_hint = false} : vector<1024x256xbf16>, vector<1024x256xbf16>, vector<1024x1024xf32> -> vector<1024x1024xf32>
    %get3A_9 = arith.constant 0 : index
    %get3A_10 = arith.constant 0 : index
    %get3A_11 = vector.load %arg3[%get3A_9, %get3A_10] : memref<1024x128xf32, #tpu.memory_space<vmem>>, vector<1024x128xf32>
    %exp3A = math.exp %dot_general3A_8 : vector<1024x1024xf32>
    %slice3A = vector.extract_strided_slice %exp3A {offsets = [0, 0], sizes = [1024, 128], strides = [1, 1]} : vector<1024x1024xf32> to vector<1024x128xf32>
    %slice3A_12 = vector.extract_strided_slice %exp3A {offsets = [0, 128], sizes = [1024, 128], strides = [1, 1]} : vector<1024x1024xf32> to vector<1024x128xf32>
    %slice3A_13 = vector.extract_strided_slice %exp3A {offsets = [0, 256], sizes = [1024, 128], strides = [1, 1]} : vector<1024x1024xf32> to vector<1024x128xf32>
    %slice3A_14 = vector.extract_strided_slice %exp3A {offsets = [0, 384], sizes = [1024, 128], strides = [1, 1]} : vector<1024x1024xf32> to vector<1024x128xf32>
    %slice3A_15 = vector.extract_strided_slice %exp3A {offsets = [0, 512], sizes = [1024, 128], strides = [1, 1]} : vector<1024x1024xf32> to vector<1024x128xf32>
    %slice3A_16 = vector.extract_strided_slice %exp3A {offsets = [0, 640], sizes = [1024, 128], strides = [1, 1]} : vector<1024x1024xf32> to vector<1024x128xf32>
    %slice3A_17 = vector.extract_strided_slice %exp3A {offsets = [0, 768], sizes = [1024, 128], strides = [1, 1]} : vector<1024x1024xf32> to vector<1024x128xf32>
    %slice3A_18 = vector.extract_strided_slice %exp3A {offsets = [0, 896], sizes = [1024, 128], strides = [1, 1]} : vector<1024x1024xf32> to vector<1024x128xf32>
    %add3A = arith.addf %slice3A, %slice3A_12 : vector<1024x128xf32>
    %add3A_19 = arith.addf %slice3A_13, %slice3A_14 : vector<1024x128xf32>
    %add3A_20 = arith.addf %slice3A_15, %slice3A_16 : vector<1024x128xf32>
    %add3A_21 = arith.addf %slice3A_17, %slice3A_18 : vector<1024x128xf32>
    %add3A_22 = arith.addf %add3A, %add3A_19 : vector<1024x128xf32>
    %add3A_23 = arith.addf %add3A_20, %add3A_21 : vector<1024x128xf32>
    %add3A_24 = arith.addf %add3A_22, %add3A_23 : vector<1024x128xf32>
    %add3A_25 = arith.addf %get3A_11, %add3A_24 : vector<1024x128xf32>
    %swap3A = arith.constant 0 : index
    %swap3A_26 = arith.constant 0 : index
    %swap3A_27 = vector.load %arg3[%swap3A, %swap3A_26] : memref<1024x128xf32, #tpu.memory_space<vmem>>, vector<1024x128xf32>
    tpu.vector_store %arg3[%swap3A, %swap3A_26], %add3A_25 {strides = array<i32>} : memref<1024x128xf32, #tpu.memory_space<vmem>>, vector<1024x128xf32>,
    return
  }
  func.func @transform_0(%arg0: i32) -> (i32, i32) {
    %c0_i32 = arith.constant 0 : i32
    %c0_i32_0 = arith.constant 0 : i32
    %c0_i32_1 = arith.constant 0 : i32
    return %c0_i32, %c0_i32_0 : i32, i32
  }
  func.func @transform_1(%arg0: i32) -> (i32, i32) {
    %c0_i32 = arith.constant 0 : i32
    %c0_i32_0 = arith.constant 0 : i32
    return %arg0, %c0_i32 : i32, i32
  }
  func.func @transform_2(%arg0: i32) -> (i32, i32) {
    %c0_i32 = arith.constant 0 : i32
    %c0_i32_0 = arith.constant 0 : i32
    %c0_i32_1 = arith.constant 0 : i32
    return %c0_i32, %c0_i32_0 : i32, i32
  }
}

module attributes {stable_mosaic.version = 14 : i64} {
  func.func @_combine_body(%arg0: memref<1024x256xf32, #tpu.memory_space<vmem>>, %arg1: memref<1024x256xf32, #tpu.memory_space<vmem>>, %arg2: memref<1024x128xf32, #tpu.memory_space<vmem>>, %arg3: memref<1x1xf32, #tpu.memory_space<vmem>>) attributes {dimension_semantics = [], scalar_prefetch = 0 : i64, scratch_operands = 0 : i64, tpu.core_type = #tpu.core_type<tc>} {
    %get3A = arith.constant 0 : index
    %get3A_0 = arith.constant 0 : index
    %get3A_1 = vector.load %arg0[%get3A, %get3A_0] : memref<1024x256xf32, #tpu.memory_space<vmem>>, vector<1024x256xf32>
    %mul3A = arith.mulf %get3A_1, %get3A_1 : vector<1024x256xf32>
    %reduce_sum3A = arith.constant dense<0.000000e+00> : vector<1024xf32>
    %reduce_sum3A_2 = vector.multi_reduction <add>, %mul3A, %reduce_sum3A [1] : vector<1024x256xf32> to vector<1024xf32>
    %broadcast_in_dim3A = vector.shape_cast %reduce_sum3A_2 : vector<1024xf32> to vector<1024x1xf32>
    %sqrt3A = math.sqrt %broadcast_in_dim3A : vector<1024x1xf32>
    %max3A = arith.constant 9.99999996E-13 : f32
    %max3A_3 = vector.broadcast %max3A : f32 to vector<1024x1xf32>
    %max3A_4 = arith.maximumf %sqrt3A, %max3A_3 : vector<1024x1xf32>
    %mul3A_5 = arith.constant 5.000000e-02 : f32
    %mul3A_6 = vector.broadcast %mul3A_5 : f32 to vector<1024x1xf32>
    %mul3A_7 = arith.mulf %max3A_4, %mul3A_6 : vector<1024x1xf32>
    %div3A = arith.constant 1.000000e+00 : f32
    %div3A_8 = vector.broadcast %div3A : f32 to vector<1024x1xf32>
    %div3A_9 = arith.divf %div3A_8, %mul3A_7 : vector<1024x1xf32>
    %get3A_10 = arith.constant 0 : index
    %get3A_11 = arith.constant 0 : index
    %get3A_12 = vector.load %arg1[%get3A_10, %get3A_11] : memref<1024x256xf32, #tpu.memory_space<vmem>>, vector<1024x256xf32>
    %mul3A_13 = arith.mulf %get3A_1, %get3A_12 : vector<1024x256xf32>
    %slice3A = vector.extract_strided_slice %mul3A_13 {offsets = [0, 0], sizes = [1024, 128], strides = [1, 1]} : vector<1024x256xf32> to vector<1024x128xf32>
    %slice3A_14 = vector.extract_strided_slice %mul3A_13 {offsets = [0, 128], sizes = [1024, 128], strides = [1, 1]} : vector<1024x256xf32> to vector<1024x128xf32>
    %add3A = arith.addf %slice3A, %slice3A_14 : vector<1024x128xf32>
    %reduce_sum3A_15 = arith.constant dense<0.000000e+00> : vector<1024xf32>
    %reduce_sum3A_16 = vector.multi_reduction <add>, %add3A, %reduce_sum3A_15 [1] : vector<1024x128xf32> to vector<1024xf32>
    %broadcast_in_dim3A_17 = vector.shape_cast %reduce_sum3A_16 : vector<1024xf32> to vector<1024x1xf32>
    %mul3A_18 = arith.mulf %broadcast_in_dim3A_17, %div3A_9 : vector<1024x1xf32>
    %get3A_19 = arith.constant 0 : index
    %get3A_20 = arith.constant 0 : index
    %get3A_21 = vector.load %arg2[%get3A_19, %get3A_20] : memref<1024x128xf32, #tpu.memory_space<vmem>>, vector<1024x128xf32>
    %reduce_sum3A_22 = arith.constant dense<0.000000e+00> : vector<1024xf32>
    %reduce_sum3A_23 = vector.multi_reduction <add>, %get3A_21, %reduce_sum3A_22 [1] : vector<1024x128xf32> to vector<1024xf32>
    %broadcast_in_dim3A_24 = vector.shape_cast %reduce_sum3A_23 : vector<1024xf32> to vector<1024x1xf32>
    %log3A = math.log %broadcast_in_dim3A_24 : vector<1024x1xf32>
    %sub3A = arith.subf %log3A, %mul3A_18 : vector<1024x1xf32>
    %reduce_sum3A_25 = vector.shape_cast %sub3A : vector<1024x1xf32> to vector<1x1024x1xf32>
    %reduce_sum3A_26 = arith.constant dense<0.000000e+00> : vector<1xf32>
    %reduce_sum3A_27 = vector.multi_reduction <add>, %reduce_sum3A_25, %reduce_sum3A_26 [1, 2] : vector<1x1024x1xf32> to vector<1xf32>
    %reduce_sum3A_28 = vector.shape_cast %reduce_sum3A_27 : vector<1xf32> to vector<1x1x1xf32>
    %reduce_sum3A_29 = vector.extract %reduce_sum3A_28[0, 0, 0] : f32 from vector<1x1x1xf32>
    %broadcast_in_dim3A_30 = vector.broadcast %reduce_sum3A_29 : f32 to vector<1x1xf32>
    %div3A_31 = arith.constant 1.024000e+03 : f32
    %div3A_32 = vector.broadcast %div3A_31 : f32 to vector<1x1xf32>
    %div3A_33 = arith.divf %broadcast_in_dim3A_30, %div3A_32 : vector<1x1xf32>
    %swap3A = arith.constant 0 : index
    %swap3A_34 = arith.constant 0 : index
    %swap3A_35 = vector.load %arg3[%swap3A, %swap3A_34] : memref<1x1xf32, #tpu.memory_space<vmem>>, vector<1x1xf32>
    tpu.vector_store %arg3[%swap3A, %swap3A_34], %div3A_33 {strides = array<i32>} : memref<1x1xf32, #tpu.memory_space<vmem>>, vector<1x1xf32>,
    return
  }
}

</mosaic_0001>

<sc_bundles>
// kernel: _run.5.cloned.1.call-start
scs
__scs_entry_jumppad:
0x0: {  	(pc) =	sbr.rel $0x88, $3  }
0x1: {  	(tag) =	ssettag $0x0;
	lr =	simm.s32 $0x1  }
0x2: {  	[smem:$0x3F9E] =	sst lr;
	_ =	strace $0xD0000000  }
0x3: {  	_ = 	snop  }
0x4: {  	_ = 	snop  }
0x5: {  	_ = 	snop  }
0x6: {  	_ = 	snop  }
0x7: {  	_ = 	snop  }
__scs_overlays_trampoline_lowered:
0x8: {  	[smem:$0x3FAD] =	sst s0  }
0x9: {  	[smem:$0x3FAE] =	sst s1  }
0xa: {  	[smem:$0x3FAF] =	sst s2  }
0xb: {  	[smem:$0x3FB0] =	sst s3  }
0xc: {  	[smem:$0x3FB1] =	sst s4  }
0xd: {  	[smem:$0x3FB2] =	sst s5  }
0xe: {  	[smem:$0x3FB3] =	sst s6  }
0xf: {  	[smem:$0x3FB4] =	sst s7  }
0x10: {  	[smem:$0x3FB5] =	sst s8  }
0x11: {  	[smem:$0x3FB6] =	sst s9;
	s0 =	simm.s32 @!p0 $0x0  }
0x12: {  	s1 =	sld [smem:$0x3F9C];
	s0 =	simm.s32 @p0 $0x1  }
0x13: {  	[smem:$0x3FB7] =	sst s0;
	s0 =	simm.s32 @!p1 $0x0  }
0x14: {  	s2 =	sld [smem:$0x3F9B];
	s0 =	simm.s32 @p1 $0x1  }
0x15: {  	[smem:$0x3FB8] =	sst s0;
	s0 =	simm.s32 @!p2 $0x0  }
0x16: {  	s3 =	sld [smem:$0x3FDB];
	s0 =	simm.s32 @p2 $0x1  }
0x17: {  	s4 =	simm.s32 $0x1BF5;
	[smem:$0x3FBA] =	sst s0  }
0x18: {  	s0 =	sld [smem:$0x3F9D];
	_ =	swait.ge [sflag:s4], $0x0  }
0x19: {  	s7 =	sld [smem:$0x3F9E]  }
0x1a: {  	s8 =	sadd.s32 $0xFFFFE003, lr  }
0x1b: {  	s9 =	sadd.s32 $0xFFFFFEF7, lr;
	s5 =	simm.s32 $0xFFFFFFFF;
	p2 =	slt.u32 s8, $0xFFFFF086  }
0x1c: {  	p1 =	slt.u32 s9, $0xF7A;
	s5 =	simm.s32 @!p2 $0x0  }
0x1d: {  	s5 =	simm.s32 @p1 $0x1;
	p0 =	seq.s32 s7, s2  }
0x1e: {  	s7 =	smul.u32 @!p0 $0xF7A, s2;
	p2 =	seq.s32 @!p0 s5, $0x0  }
0x1f: {  	s9 =	smul.u32 $0xF7A, s1;
	s8 =	simm.s32 @!p0 $0x1BF5;
	p2 =	por !p2, p0  }
0x20: {  	[sflag:s8] =	ssyncset.s32 @!p0 $0xFFFFF086;
	s6 =	sadd.s32 @!p0 s3, s7;
	s7 =	simm.s32 @!p0 $0x108  }
0x21: {  	s3 =	sadd.s32 s3, s9;
	s6 =	sadd.s32 @!p0 $0x88, s6;
	s7 =	simm.s32 @p2 $0x1082  }
0x22: {  	[simem:s7], [sflag:s8] =	dma.local @!p0 [hbm:s6], $0xF7A  }
0x23: {  	s9 =	sor.u32 $0xD0000000, s2;
	s6 =	simm.s32 $0x108;
	_ =	swait.ge @!p0 [sflag:s8], $0x0  }
0x24: {  	s3 =	sadd.s32 $0x88, s3;
	s6 =	simm.s32 @!p1 $0x1082;
	[sflag:s4] =	ssyncset.s32 $0xFFFFF086  }
0x25: {  	[simem:s6], [sflag:s4] =	dma.local [hbm:s3], $0xF7A  }
0x26: {  	[smem:$0x3F9E] =	sst s1;
	(tag) =	ssettag s2;
	_ =	strace s9  }
0x27: {  	s1 =	sld [smem:$0x3FAE]  }
0x28: {  	s2 =	sld [smem:$0x3FAF]  }
0x29: {  	s4 =	sld [smem:$0x3FB1]  }
0x2a: {  	p0 =	seq.s32 s5, $0x0;
	s5 =	sld [smem:$0x3FB2]  }
0x2b: {  	s6 =	sld [smem:$0x3FB3]  }
0x2c: {  	s7 =	sld [smem:$0x3FB4]  }
0x2d: {  	s3 =	simm.s32 $0x108;
	s8 =	sld [smem:$0x3FB5]  }
0x2e: {  	s3 =	simm.s32 @!p0 $0x1082;
	s9 =	sld [smem:$0x3FB6]  }
0x2f: {  	lr =	sadd.s32 s0, s3;
	s0 =	sld [smem:$0x3FAD]  }
0x30: {  	s3 =	sld [smem:$0x3FB0]  }
0x31: {  	[smem:$0x3FB9] =	sst s10  }
0x32: {  	s10 =	sld [smem:$0x3FB7];
	_ =	sdelay $0x3  }
0x33: {  	p0 =	seq.s32 s10, $0x1;
	s10 =	sld [smem:$0x3FB9];
	_ =	sdelay $0x3  }
0x34: {  	[smem:$0x3FB9] =	sst s10  }
0x35: {  	s10 =	sld [smem:$0x3FB8];
	_ =	sdelay $0x3  }
0x36: {  	p1 =	seq.s32 s10, $0x1;
	s10 =	sld [smem:$0x3FB9];
	_ =	sdelay $0x3  }
0x37: {  	[smem:$0x3FB9] =	sst s10  }
0x38: {  	s10 =	sld [smem:$0x3FBA]  }
0x39: {  	_ = 	snop;
	(pc) =	sbr.ind lr, $3  }
0x3a: {  	_ = 	snop  }
0x3b: {  	_ = 	snop  }
0x3c: {  	p2 =	seq.s32 s10, $0x1;
	s10 =	sld [smem:$0x3FB9]  }
0x3d: {  	_ =	shalt  }
0x3e: {  	_ =	shalt  }
0x3f: {  	_ =	shalt  }
0x40: {  	_ =	shalt  }
0x41: {  	_ =	shalt  }
0x42: {  	_ =	shalt  }
0x43: {  	_ =	shalt  }
0x44: {  	_ =	shalt  }
0x45: {  	_ =	shalt  }
0x46: {  	_ =	shalt  }
0x47: {  	_ =	shalt  }
0x48: {  	_ =	shalt  }
0x49: {  	_ =	shalt  }
0x4a: {  	_ =	shalt  }
0x4b: {  	_ =	shalt  }
0x4c: {  	_ =	shalt  }
0x4d: {  	_ =	shalt  }
0x4e: {  	_ =	shalt  }
0x4f: {  	_ =	shalt  }
0x50: {  	_ =	shalt  }
0x51: {  	_ =	shalt  }
0x52: {  	_ =	shalt  }
0x53: {  	_ =	shalt  }
0x54: {  	_ =	shalt  }
0x55: {  	_ =	shalt  }
0x56: {  	_ =	shalt  }
0x57: {  	_ =	shalt  }
0x58: {  	_ =	shalt  }
0x59: {  	_ =	shalt  }
0x5a: {  	_ =	shalt  }
0x5b: {  	_ =	shalt  }
0x5c: {  	_ =	shalt  }
0x5d: {  	_ =	shalt  }
0x5e: {  	_ =	shalt  }
0x5f: {  	_ =	shalt  }
0x60: {  	_ =	shalt  }
0x61: {  	_ =	shalt  }
0x62: {  	_ =	shalt  }
0x63: {  	_ =	shalt  }
0x64: {  	_ =	shalt  }
0x65: {  	_ =	shalt  }
0x66: {  	_ =	shalt  }
0x67: {  	_ =	shalt  }
0x68: {  	_ =	shalt  }
0x69: {  	_ =	shalt  }
0x6a: {  	_ =	shalt  }
0x6b: {  	_ =	shalt  }
0x6c: {  	_ =	shalt  }
0x6d: {  	_ =	shalt  }
0x6e: {  	_ =	shalt  }
0x6f: {  	_ =	shalt  }
0x70: {  	_ =	shalt  }
0x71: {  	_ =	shalt  }
0x72: {  	_ =	shalt  }
0x73: {  	_ =	shalt  }
0x74: {  	_ =	shalt  }
0x75: {  	_ =	shalt  }
0x76: {  	_ =	shalt  }
0x77: {  	_ =	shalt  }
0x78: {  	_ =	shalt  }
0x79: {  	_ =	shalt  }
0x7a: {  	_ =	shalt  }
0x7b: {  	_ =	shalt  }
0x7c: {  	_ =	shalt  }
0x7d: {  	_ =	shalt  }
0x7e: {  	_ =	shalt  }
0x7f: {  	_ =	shalt  }
0x80: {  	_ =	shalt  }
0x81: {  	_ =	shalt  }
0x82: {  	_ =	shalt  }
0x83: {  	_ =	shalt  }
0x84: {  	_ =	shalt  }
0x85: {  	_ =	shalt  }
0x86: {  	_ =	shalt  }
0x87: {  	_ =	shalt  }
.Lfunc_end0:
.L_simem_size_0:
called_computation_lowered:
.L_overlay_start_0:
0x88: {  	s2 =	sld [smem:$0x3FD9]  }
0x89: {  	s3 =	sld [smem:$0x3FFE];
	_ =	sdelay $0x1  }
0x8a: {  	s1 =	srdreg.scid  }
0x8b: {  	s0 =	sand.u32 $0x1, s1  }
0x8c: {  	s17 =	sshll.u32 s0, $0xA;
	s2 =	sadd.s32 s3, s2  }
0x8d: {  	s2 =	sadd.s32 s2, s17  }
0x8e: {  	[smem:$0x3FC5] =	sst s2  }
0x8f: {  	_ = 	snop  }
0x90: {  	s2 =	sld [smem:$0x3FC8]  }
0x91: {  	s18 =	sld [smem:$0x3FC7];
	(tm) =	ssettm $0x1  }
0x92: {  	s4 =	sld [smem:$0x3FFB];
	_ =	sdelay $0x3  }
0x93: {  	_ =	strace s4  }
0x94: {  	s4 =	sld [smem:$0x3FFC];
	_ =	sdelay $0x3  }
0x95: {  	_ =	strace s4  }
0x96: {  	s4 =	sld [smem:$0x3FFD];
	_ =	sdelay $0x3  }
0x97: {  	_ =	strace s4  }
0x98: {  	_ =	strace $0x8FFFFFFF  }
0x99: {  	s19 =	sld [smem:$0x3FDB];
	_ =	sdelay $0x1  }
0x9a: {  	s5 =	simm.s32 $_scs_section_size  }
0x9b: {  	s6 =	simm.s32 $_size__tile_overlayer_lowered;
	s7 =	simm.s32 $_tile_overlayer_lowered  }
0x9c: {  	s22 =	simm.s32 $0x1BFF;
	s21 =	sshll.u32 s7, $0x1;
	s4 =	sadd.s32 s5, s19  }
0x9d: {  	s8 =	simm.s32 $0x0;
	s20 =	sshll.u32 s6, $0x1;
	s6 =	sadd.s32 s21, s4  }
0x9e: {  	[timem:s8], [sflag:s22] =	dma.local [hbm:s6], s20  }
0x9f: {  	_ =	swait.ge [sflag:s22], s20  }
0xa0: {  	s5 =	ssub.s32 $0x0, s20;
	[sflag:s22] =	ssyncset.done $0x0  }
0xa1: {  	[sflag:s22] =	ssyncadd.s32 s5;
	_ =	sdelay $0x1  }
0xa2: {  	s23 =	simm.s32 $0x1B8B  }
0xa3: {  	_ =	swait.ge [sflag:s23], $0x1  }
0xa4: {  	[sflag:s23] =	ssyncset.done $0x0  }
0xa5: {  	s25 =	simm.s32 $0x1B8E;
	s24 =	sld [smem:$0x3FFE];
	[sflag:s23] =	ssyncadd.s32 $0xFFFFFFFF  }
0xa6: {  	s26 =	simm.s32 $execute0_lowered;
	[smem:$0x3FD2] =	sst s25  }
0xa7: {  	s6 =	sshll.u32 s26, $0x1;
	_ =	strace $0x80000046;
	[dreg:$0x1] =	wrdreg $0xFFFFFFFF  }
0xa8: {  	s28 =	simm.s32 $_size_execute0_lowered;
	s4 =	sadd.s32 s4, s6;
	[dreg:$0x0] =	wrdreg $0x0  }
0xa9: {  	s6 =	sshll.u32 s28, $0x1;
	[dreg:$0x2] =	wrdreg s4  }
0xaa: {  	[dreg:$0x3] =	wrdreg s6  }
0xab: {  	[dreg:$0x4] =	wrdreg $0xC0  }
0xac: {  	_ =	task [dreg:s8], $0x5FFFF  }
0xad: {  	[dreg:$0x1] =	wrdreg $0xFFFFFFFF  }
0xae: {  	[dreg:$0x0] =	wrdreg $0x60  }
0xaf: {  	[dreg:$0x2] =	wrdreg s18  }
0xb0: {  	[dreg:$0x3] =	wrdreg s2  }
0xb1: {  	[dreg:$0x4] =	wrdreg s24  }
0xb2: {  	[dreg:$0x5] =	wrdreg $0x9  }
0xb3: {  	_ =	task.clear_ibuf [dreg:s8], $0x6FFFF;
	_ =	strace $0x90000046  }
0xb4: {  	s29 =	simm.s32 $0x9;
	_ =	strace $0x80000048  }
0xb5: {  	_ =	swait.ge [sflag:s29], $0x1  }
0xb6: {  	[sflag:s29] =	ssyncadd.s32 $0xFFFFFFFF  }
0xb7: {  	_ =	strace $0x90000048  }
0xb8: {  	_ =	sfence  }
0xb9: {  	s30 =	sld [smem:$0x0];
	_ =	sdelay $0x2  }
0xba: {  	s31 =	sshll.u32 s1, $0xD;
	s1 =	sshrl.u32 s1, $0x2  }
0xbb: {  	s3 =	sand.u32 $0x4000, s31;
	s1 =	sadd.s32 s1, s30  }
0xbc: {  	s0 =	sor.u32 s3, s0;
	s1 =	sshll.u32 s1, $0x11  }
0xbd: {  	s0 =	sor.u32 s1, s0  }
0xbe: {  	s0 =	sadd.s32 $0x8F2B, s0  }
0xbf: {  	[sflag:s0] =	ssyncadd.remote.s32 $0x1  }
0xc0: {  	_ =	sfence.sel $0xFFFF  }
0xc1: {  	[dreg:$0x0] =	wrdreg $0xFFFFFFFF;
	(pc) =	sbr.abs _section_cstart, $3  }
0xc2: {  	[dreg:$0x1] =	wrdreg $0xFFFFFFFF  }
0xc3: {  	_ =	task.clear_ibuf [dreg:s8], $0x2FFFF;
	_ =	strace $0x9FFFFFFF  }
0xc4: {  	(tm) =	ssettm $0x7FFFFFFF  }
0xc5: {  	_ =	shalt  }
tec
execute0_lowered:
.L_overlay_start_1:
0x0: {  	(tag) =	ssettag $0x1  }
0x1: {  	s1 =	rddreg [dreg:$0x0]  }
0x2: {  	s4 =	rddreg [dreg:$0x1]  }
0x3: {  	s5 =	rddreg [dreg:$0x2];
	s3 =	srdreg.scid  }
0x4: {  	s0 =	rddreg [dreg:$0x3];
	s2 =	stileid.u32;
	s10 =	simm.s32 $0x1080  }
0x5: {  	s11 =	simm.s32 $0x1880;
	s12 =	simm.s32 $0x1;
	s6 =	sand.u32 $0x1, s3  }
0x6: {  	s3 =	simm.s32 $0x0;
	s7 =	sshll.u32 s2, $0x6;
	s8 =	sshll.u32 s6, $0x5  }
0x7: {  	[smem:$0x7FF] =	sst s3;
	s6 =	ssub.s32 $0x2, s6;
	s7 =	sor.u32 s8, s7  }
0x8: {  	_ =	strace $0x80000047;
	s9 =	sshrl.u32 s6, $0x1;
	s8 =	sshll.u32 s7, $0x5  }
0x9: {  	v2 =	vlaneseq.u32;
	s6 =	ssub.s32 s6, s9;
	s7 =	sshrl.u32 s7, $0x3;
	s9 =	simm.s32 $0x880  }
0xa: {  	vm0 =	vmmov $0xffff;
	v1 =	vshrl.u32 v2, $0x3;
	s5 =	sadd.s32 s8, s5;
	s4 =	sadd.s32 s4, s7;
	s6 =	smax.u32 s6, $0x1  }
0xb: {  	v0 =	vand.u32 $0x7, v2;
	v2 =	vor.u32 $0x8, v2;
	v1 =	vmul.u32 $0x8, v1;
	s7 =	simm.s32 $0x2;
	s8 =	simm.s32 $0x80;
	s5 =	sadd.s32 $0xA00, s5  }
.LBB2_1:
0xc: {  	[tilespmem:s3], [sflag:$0x2] =	stream.linear.gather [hbm4b:s4+s3], $0x20, $0x38;
	[tilespmem:$0x2080] =	vst v63  }
0xd: {  	_ =	swait.ge [sflag:s7], $0x20  }
0xe: {  	[sflag:s7] =	ssyncset.done $0x0  }
0xf: {  	[sflag:s7] =	ssyncadd.s32 $0xFFFFFFE0  }
0x10: {  	v3 =	vld [tilespmem:$0x0];
	_ =	sdelay $0x4  }
0x11: {  	v4 =	vshll.u32 v3, $0x1  }
0x12: {  	v3 =	vand.u32 $0x7, v3;
	v4 =	vand.u32 $0xFFFFFFF0, v4  }
0x13: {  	v3 =	vor.u32 v3, v4  }
0x14: {  	v4 =	vperm.xlane v3, v0;
	_ =	sdelay $0x1  }
0x15: {  	v3 =	vperm.xlane v3, v2;
	v4 =	vadd.s32 v1, v4;
	_ =	sdelay $0x1  }
0x16: {  	v3 =	vadd.s32 v1, v3;
	_ =	sdelay $0x2  }
0x17: {  	[tilespmem:s8], [sflag:$0x1] =	stream.indirect_vreg.gather [hbm4b:s1+s3], $0x80, v4, vm0, $0xb8;
	[tilespmem:$0x2080] =	vst v63  }
0x18: {  	_ = 	snop  }
0x19: {  	[tilespmem:s9], [sflag:$0x1] =	stream.indirect_vreg.gather [hbm4b:s1+s3], $0x80, v3, vm0, $0xb8;
	[tilespmem:$0x2080] =	vst v63  }
0x1a: {  	v3 =	vld [tilespmem:$0x10];
	_ =	sdelay $0x4  }
0x1b: {  	v63 =	vshll.u32 v3, $0x1  }
0x1c: {  	v3 =	vand.u32 $0x7, v3;
	v4 =	vand.u32 $0xFFFFFFF0, v63  }
0x1d: {  	v3 =	vor.u32 v3, v4  }
0x1e: {  	v4 =	vperm.xlane v3, v0;
	_ =	sdelay $0x1  }
0x1f: {  	v3 =	vperm.xlane v3, v2;
	v4 =	vadd.s32 v1, v4;
	_ =	sdelay $0x1  }
0x20: {  	v3 =	vadd.s32 v1, v3;
	_ =	sdelay $0x2  }
0x21: {  	[tilespmem:s10], [sflag:$0x1] =	stream.indirect_vreg.gather [hbm4b:s1+s3], $0x80, v4, vm0, $0xb8;
	[tilespmem:$0x2080] =	vst v63  }
0x22: {  	_ = 	snop  }
0x23: {  	[tilespmem:s11], [sflag:$0x1] =	stream.indirect_vreg.gather [hbm4b:s1+s3], $0x80, v3, vm0, $0xb8;
	[tilespmem:$0x2080] =	vst v63  }
0x24: {  	_ =	swait.ge [sflag:s12], $0x2000  }
0x25: {  	p0 =	sne.s32 s6, $0x1;
	[sflag:s12] =	ssyncset.done $0x0  }
.Ltmp0:
0x26: {  	[sflag:s12] =	ssyncadd.s32 $0xFFFFE000;
	(pc) =	sbr.rel @p0 .LBB2_1-.Ltmp0, $4  }
0x27: {  	[hbm4b:s5+s3] =	stream.linear.scatter [tilespmem:s8], [sflag:$0x2], $0x2000, $0x38;
	[tilespmem:$0x2080] =	vst v63  }
0x28: {  	_ =	swait.ge [sflag:s7], $0x2000  }
0x29: {  	[sflag:s7] =	ssyncset.done $0x0  }
0x2a: {  	s6 =	sadd.s32 $0xFFFFFFFF, s6;
	[sflag:s7] =	ssyncadd.s32 $0xFFFFE000  }
0x2b: {  	_ =	sfence.sel $0x180000  }
0x2c: {  	[bflag:$0x0] =	sbarrier.arrive $0xFFFF  }
0x2d: {  	p0 =	sne.s32 s2, $0x0;
	_ =	strace $0x90000047  }
0x2e: {  	s0 =	sadd.s32 @!p0 $0x100000, s0;
	[bflag:$0x2] =	sbarrier.arrive $0xFFFF  }
0x2f: {  	[sflag:s0] =	ssyncadd.tile.s32 @!p0 $0x1;
	_ =	shalt  }
.Lfunc_end2:
_tile_overlayer_lowered:
.L_overlay_start_2:
0x30: {  	(tag) =	ssettag $0x2  }
0x31: {  	s0 =	rddreg [dreg:$0x0];
	s2 =	stileid.u32  }
0x32: {  	s1 =	rddreg [dreg:$0x1];
	p0 =	sne.s32 s2, $0x0  }
0x33: {  	s3 =	rddreg [dreg:$0x2];
	[bflag:$0x3] =	sbarrier.arrive $0xFFFF;
	s2 =	simm.s32 @!p0 $0x1C02  }
0x34: {  	[timem:s3], [sflag:s2] =	dma.local @!p0 [hbm:s0], s1  }
0x35: {  	s0 =	simm.s32 @!p0 $0x2  }
0x36: {  	_ =	swait.ge @!p0 [sflag:s0], s1  }
0x37: {  	s1 =	ssub.s32 @!p0 $0x0, s1;
	[sflag:s0] =	ssyncset.done @!p0 $0x0  }
0x38: {  	[sflag:s0] =	ssyncadd.s32 @!p0 s1  }
0x39: {  	[bflag:$0x3] =	sbarrier.arrive $0xFFFF  }
0x3a: {  	_ =	shalt  }

</sc_bundles>
